<compile_context>
chip_gen: v7x
topology: tpu7x:2x2x1
jax: 0.10.2.dev20260603
libtpu: 0.0.44.dev20260713+nightly
codegen_flags: <defaults>
</compile_context>

<pallas_src>
import functools

import jax
import jax.numpy as jnp
from jax import lax
from jax.experimental import pallas as pl
from jax.experimental.pallas import tpu as pltpu
from jax.experimental.pallas import tpu_sc as plsc

N_TOKENS = 16384
D_MODEL = 2048
N_EXPERTS = 64
BLOCK_M = 2048

NC = 2
NS = 16
L = 16
NW = NC * NS
ROWS_PER_W = N_TOKENS // NW
NGROUPS = ROWS_PER_W // L
NSTRIPE = 4
EPS = N_EXPERTS // NSTRIPE


def _merge_top2(a, b):
    m1a, i1a, m2a, i2a = a
    m1b, i1b, m2b, i2b = b
    b_wins = m1b > m1a
    m1 = jnp.where(b_wins, m1b, m1a)
    i1 = jnp.where(b_wins, i1b, i1a)
    ca = jnp.where(b_wins, m1a, m2a)
    ia = jnp.where(b_wins, i1a, i2a)
    cb = jnp.where(b_wins, m2b, m1b)
    ib = jnp.where(b_wins, i2b, i1b)
    b2_wins = cb > ca
    m2 = jnp.where(b2_wins, cb, ca)
    i2 = jnp.where(b2_wins, ib, ia)
    return m1, i1, m2, i2


def _sc_route_body(lt_hbm, probs_hbm, idx_hbm, sem, lt2_v, lt_v, probs_v, idx_v):
    wid = lax.axis_index("s") * NC + lax.axis_index("c")
    base = wid * ROWS_PER_W
    pltpu.async_copy(
        lt_hbm.at[pl.ds(wid * 2, 2), :], lt2_v, sem
    ).wait()

    zeros16 = jnp.zeros((L,), jnp.float32)

    def zero_blk(r, c):
        for j in range(32):
            probs_v[pl.ds(r * 512 + j * L, L)] = zeros16
        return c

    pass

    lane = lax.iota(jnp.int32, L)
    neg_inf = jnp.full((L,), -jnp.inf, jnp.float32)
    zeros_i = jnp.zeros((L,), jnp.int32)

    def group(g, c):
        off = g * L
        stripes = []
        for s in range(NSTRIPE):
            m1 = neg_inf
            i1 = zeros_i
            m2 = neg_inf
            i2 = zeros_i
            for e in range(s * EPS, (s + 1) * EPS):
                v = lt_v[e, pl.ds(off, L)]
                es = jnp.full((L,), e, jnp.int32)
                gt1 = v > m1
                gt2 = v > m2
                m2 = jnp.where(gt1, m1, jnp.where(gt2, v, m2))
                i2 = jnp.where(gt1, i1, jnp.where(gt2, es, i2))
                m1 = jnp.where(gt1, v, m1)
                i1 = jnp.where(gt1, es, i1)
            stripes.append((m1, i1, m2, i2))
        ab = _merge_top2(stripes[0], stripes[1])
        cd = _merge_top2(stripes[2], stripes[3])
        m1, i1, m2, i2 = _merge_top2(ab, cd)

        v1 = 1.0 / (1.0 + jnp.exp(m2 - m1))
        v2 = 1.0 - v1
        rows = off + lane
        plsc.store_scatter(probs_v, [rows * N_EXPERTS + i1], v1)
        plsc.store_scatter(probs_v, [rows * N_EXPERTS + i2], v2)
        plsc.store_scatter(idx_v, [rows * 2], i1)
        plsc.store_scatter(idx_v, [rows * 2 + 1], i2)
        return c

    pass

    pltpu.sync_copy(probs_v.at[pl.ds(0, 512)], probs_hbm.at[pl.ds(base * N_EXPERTS, 512)])
    pltpu.sync_copy(idx_v, idx_hbm.at[pl.ds(base * 2, ROWS_PER_W * 2)])


_sc_route = functools.partial(
    pl.kernel,
    out_type=[
        jax.ShapeDtypeStruct((N_TOKENS * N_EXPERTS,), jnp.float32),
        jax.ShapeDtypeStruct((N_TOKENS * 2,), jnp.int32),
    ],
    mesh=plsc.VectorSubcoreMesh(
        core_axis_name="c", subcore_axis_name="s", num_cores=NC, num_subcores=NS
    ),
    scratch_types=[
        pltpu.SemaphoreType.DMA,
        pltpu.VMEM((2, N_TOKENS), jnp.float32),
        pltpu.VMEM((N_EXPERTS, ROWS_PER_W), jnp.float32),
        pltpu.VMEM((ROWS_PER_W * N_EXPERTS,), jnp.float32),
        pltpu.VMEM((ROWS_PER_W * 2,), jnp.int32),
    ],
    compiler_params=pltpu.CompilerParams(needs_layout_passes=False),
)(_sc_route_body)


@jax.jit
def kernel(x, W):
    p, i = _sc_route(x.reshape(D_MODEL, N_TOKENS))
    return p.reshape(N_TOKENS, N_EXPERTS), i.reshape(N_TOKENS, 2)

# --- scband reference (transcript-rebuilt; emitter-appended) ---
"""Pipeline reference for scband-batched-router-46548855554341 (READ-ONLY COPY).

The authoritative reference and input builder live on the scoring server;
editing this copy changes nothing except your own understanding.
"""

import jax, jax.numpy as jnp
import numpy as np

TOP_K = 2

def setup_inputs(seed: int = 0) -> dict:
    key = jax.random.key(seed)
    k1, k2 = jax.random.split(key)
    x = jax.random.normal(k1, (16384, 2048), dtype=jnp.float32)
    # gate weight initialized as row-normalized gaussian, matching torch init
    W = jax.random.normal(k2, (64, 2048), dtype=jnp.float32)
    W = W / jnp.linalg.norm(W, axis=1, keepdims=True)
    return {"x": x, "W": W}

def reference(x, W):
    # logits = gate(x) = x @ W^T  (no bias)
    logits = x @ W.T
    probs = jax.nn.softmax(logits, axis=-1)
    top_k_vals, top_k_indices = jax.lax.top_k(probs, TOP_K)
    top_k_vals_norm = top_k_vals / jnp.sum(top_k_vals, axis=-1, keepdims=True)
    row_idx = jnp.arange(probs.shape[0])[:, None]
    full_probs = jnp.zeros_like(probs).at[row_idx, top_k_indices].set(top_k_vals_norm)
    return (full_probs, top_k_indices)

if __name__ == "__main__":
    import jax
    _d = setup_inputs()
    print(jax.jit(kernel)(*tuple(_d.values())))

</pallas_src>

<mosaic_0001>
#map = affine_map<(d0, d1) -> (0, 0)>
#map1 = affine_map<(d0, d1) -> (0)>
module attributes {stable_mosaic.version = 14 : i64} {
  func.func @_sc_route_body(%arg0: i32, %arg1: i32, %arg2: memref<2048x16384xf32, #tpu.memory_space<hbm>>, %arg3: memref<1048576xf32, #tpu.memory_space<hbm>>, %arg4: memref<32768xi32, #tpu.memory_space<hbm>>, %arg5: memref<!tpu.dma_semaphore, #tpu.memory_space<semaphore_mem>>, %arg6: memref<2x16384xf32, #tpu.memory_space<vmem>>, %arg7: memref<64x512xf32, #tpu.memory_space<vmem>>, %arg8: memref<32768xf32, #tpu.memory_space<vmem>>, %arg9: memref<1024xi32, #tpu.memory_space<vmem>>) attributes {dimension_semantics = [#tpu.dimension_semantics<core_parallel>, #tpu.dimension_semantics<subcore_parallel>], iteration_bounds = array<i64: 2, 16>, scalar_prefetch = 0 : i64, scratch_operands = 5 : i64, tpu.core_type = #tpu.core_type<sc_vector_subcore>, window_params = [{transform_indices = #map}, {transform_indices = #map1}, {transform_indices = #map1}]} {
    %mul3A = arith.constant 2 : i32
    %mul3A_0 = arith.muli %arg1, %mul3A : i32
    %add3A = arith.addi %mul3A_0, %arg0 : i32
    %mul3A_1 = arith.constant 512 : i32
    %mul3A_2 = arith.muli %add3A, %mul3A_1 : i32
    %mul3A_3 = arith.constant 2 : i32
    %mul3A_4 = arith.muli %add3A, %mul3A_3 : i32
    %dma_start3A = arith.constant 0 : i32
    %dma_start3A_5 = tpu.memref_slice %arg2[%mul3A_4, %dma_start3A] : memref<2048x16384xf32, #tpu.memory_space<hbm>> -> memref<2x16384xf32, #tpu.memory_space<hbm>>
    %dma_start3A_6 = arith.constant 0 : i32
    %dma_start3A_7 = tpu.memref_slice %arg2[%mul3A_4, %dma_start3A_6] : memref<2048x16384xf32, #tpu.memory_space<hbm>> -> memref<2x16384xf32, #tpu.memory_space<hbm>>
    tpu.enqueue_dma source(%dma_start3A_7 : memref<2x16384xf32, #tpu.memory_space<hbm>>) target(%arg6 : memref<2x16384xf32, #tpu.memory_space<vmem>>) target_semaphore(%arg5 : memref<!tpu.dma_semaphore, #tpu.memory_space<semaphore_mem>>)
    %dma_wait3A = arith.constant 0 : i32
    %dma_wait3A_8 = tpu.memref_slice %arg2[%mul3A_4, %dma_wait3A] : memref<2048x16384xf32, #tpu.memory_space<hbm>> -> memref<2x16384xf32, #tpu.memory_space<hbm>>
    %dma_wait3A_9 = arith.constant 0 : i32
    %dma_wait3A_10 = tpu.memref_slice %arg2[%mul3A_4, %dma_wait3A_9] : memref<2048x16384xf32, #tpu.memory_space<hbm>> -> memref<2x16384xf32, #tpu.memory_space<hbm>>
    tpu.wait_dma2 semaphore(%arg5 : memref<!tpu.dma_semaphore, #tpu.memory_space<semaphore_mem>>) src(%dma_wait3A_10 : memref<2x16384xf32, #tpu.memory_space<hbm>>) dst(%arg6 : memref<2x16384xf32, #tpu.memory_space<vmem>>)
    %broadcast_in_dim3A = arith.constant 0.000000e+00 : f32
    %broadcast_in_dim3A_11 = vector.broadcast %broadcast_in_dim3A : f32 to vector<16xf32>
    %iota3A = tpu.iota {dimensions = array<i32: 0>} : vector<16xi32>
    %broadcast_in_dim3A_12 = arith.constant 0xFF800000 : f32
    %broadcast_in_dim3A_13 = vector.broadcast %broadcast_in_dim3A_12 : f32 to vector<16xf32>
    %broadcast_in_dim3A_14 = arith.constant 0 : i32
    %broadcast_in_dim3A_15 = vector.broadcast %broadcast_in_dim3A_14 : i32 to vector<16xi32>
    %mul3A_16 = arith.constant 64 : i32
    %mul3A_17 = arith.muli %mul3A_2, %mul3A_16 : i32
    "tpu.region"() ({
      %run_scoped3A = tpu.sem_alloc : memref<!tpu.dma_semaphore, #tpu.memory_space<semaphore_mem>>
      %dma_start3A_20 = arith.constant 0 : i32
      %dma_start3A_21 = tpu.memref_slice %arg8[%dma_start3A_20] : memref<32768xf32, #tpu.memory_space<vmem>> -> memref<512xf32, #tpu.memory_space<vmem>>
      %dma_start3A_22 = tpu.memref_slice %arg3[%mul3A_17] : memref<1048576xf32, #tpu.memory_space<hbm>> -> memref<512xf32, #tpu.memory_space<hbm>>
      %dma_start3A_23 = tpu.memref_slice %arg3[%mul3A_17] : memref<1048576xf32, #tpu.memory_space<hbm>> -> memref<512xf32, #tpu.memory_space<hbm>>
      %dma_start3A_24 = arith.constant 0 : i32
      %dma_start3A_25 = tpu.memref_slice %arg8[%dma_start3A_24] : memref<32768xf32, #tpu.memory_space<vmem>> -> memref<512xf32, #tpu.memory_space<vmem>>
      tpu.enqueue_dma source(%dma_start3A_25 : memref<512xf32, #tpu.memory_space<vmem>>) target(%dma_start3A_23 : memref<512xf32, #tpu.memory_space<hbm>>) target_semaphore(%run_scoped3A : memref<!tpu.dma_semaphore, #tpu.memory_space<semaphore_mem>>)
      %dma_wait3A_26 = arith.constant 0 : i32
      %dma_wait3A_27 = tpu.memref_slice %arg8[%dma_wait3A_26] : memref<32768xf32, #tpu.memory_space<vmem>> -> memref<512xf32, #tpu.memory_space<vmem>>
      %dma_wait3A_28 = tpu.memref_slice %arg3[%mul3A_17] : memref<1048576xf32, #tpu.memory_space<hbm>> -> memref<512xf32, #tpu.memory_space<hbm>>
      %dma_wait3A_29 = tpu.memref_slice %arg3[%mul3A_17] : memref<1048576xf32, #tpu.memory_space<hbm>> -> memref<512xf32, #tpu.memory_space<hbm>>
      %dma_wait3A_30 = arith.constant 0 : i32
      %dma_wait3A_31 = tpu.memref_slice %arg8[%dma_wait3A_30] : memref<32768xf32, #tpu.memory_space<vmem>> -> memref<512xf32, #tpu.memory_space<vmem>>
      tpu.wait_dma2 semaphore(%run_scoped3A : memref<!tpu.dma_semaphore, #tpu.memory_space<semaphore_mem>>) src(%dma_wait3A_31 : memref<512xf32, #tpu.memory_space<vmem>>) dst(%dma_wait3A_29 : memref<512xf32, #tpu.memory_space<hbm>>)
      tpu.yield
    }) : () -> ()
    %mul3A_18 = arith.constant 2 : i32
    %mul3A_19 = arith.muli %mul3A_2, %mul3A_18 : i32
    "tpu.region"() ({
      %run_scoped3A = tpu.sem_alloc : memref<!tpu.dma_semaphore, #tpu.memory_space<semaphore_mem>>
      %dma_start3A_20 = tpu.memref_slice %arg4[%mul3A_19] : memref<32768xi32, #tpu.memory_space<hbm>> -> memref<1024xi32, #tpu.memory_space<hbm>>
      %dma_start3A_21 = tpu.memref_slice %arg4[%mul3A_19] : memref<32768xi32, #tpu.memory_space<hbm>> -> memref<1024xi32, #tpu.memory_space<hbm>>
      tpu.enqueue_dma source(%arg9 : memref<1024xi32, #tpu.memory_space<vmem>>) target(%dma_start3A_21 : memref<1024xi32, #tpu.memory_space<hbm>>) target_semaphore(%run_scoped3A : memref<!tpu.dma_semaphore, #tpu.memory_space<semaphore_mem>>)
      %dma_wait3A_22 = tpu.memref_slice %arg4[%mul3A_19] : memref<32768xi32, #tpu.memory_space<hbm>> -> memref<1024xi32, #tpu.memory_space<hbm>>
      %dma_wait3A_23 = tpu.memref_slice %arg4[%mul3A_19] : memref<32768xi32, #tpu.memory_space<hbm>> -> memref<1024xi32, #tpu.memory_space<hbm>>
      tpu.wait_dma2 semaphore(%run_scoped3A : memref<!tpu.dma_semaphore, #tpu.memory_space<semaphore_mem>>) src(%arg9 : memref<1024xi32, #tpu.memory_space<vmem>>) dst(%dma_wait3A_23 : memref<1024xi32, #tpu.memory_space<hbm>>)
      tpu.yield
    }) : () -> ()
    return
  }
}

</mosaic_0001>

<sc_bundles>
// kernel: kernel.3.cloned.1.call-start
scs
__scs_entry_jumppad:
0x0: {  	(pc) =	sbr.rel $0x88, $3  }
0x1: {  	(tag) =	ssettag $0x0;
	lr =	simm.s32 $0x1  }
0x2: {  	[smem:$0x3FA0] =	sst lr;
	_ =	strace $0xD0000000  }
0x3: {  	_ = 	snop  }
0x4: {  	_ = 	snop  }
0x5: {  	_ = 	snop  }
0x6: {  	_ = 	snop  }
0x7: {  	_ = 	snop  }
__scs_overlays_trampoline_lowered:
0x8: {  	[smem:$0x3FAF] =	sst s0  }
0x9: {  	[smem:$0x3FB0] =	sst s1  }
0xa: {  	[smem:$0x3FB1] =	sst s2  }
0xb: {  	[smem:$0x3FB2] =	sst s3  }
0xc: {  	[smem:$0x3FB3] =	sst s4  }
0xd: {  	[smem:$0x3FB4] =	sst s5  }
0xe: {  	[smem:$0x3FB5] =	sst s6  }
0xf: {  	[smem:$0x3FB6] =	sst s7  }
0x10: {  	[smem:$0x3FB7] =	sst s8  }
0x11: {  	[smem:$0x3FB8] =	sst s9;
	s0 =	simm.s32 @!p0 $0x0  }
0x12: {  	s1 =	sld [smem:$0x3F9E];
	s0 =	simm.s32 @p0 $0x1  }
0x13: {  	[smem:$0x3FB9] =	sst s0;
	s0 =	simm.s32 @!p1 $0x0  }
0x14: {  	s2 =	sld [smem:$0x3F9D];
	s0 =	simm.s32 @p1 $0x1  }
0x15: {  	[smem:$0x3FBA] =	sst s0;
	s0 =	simm.s32 @!p2 $0x0  }
0x16: {  	s3 =	sld [smem:$0x3FDB];
	s0 =	simm.s32 @p2 $0x1  }
0x17: {  	s4 =	simm.s32 $0x1BF5;
	[smem:$0x3FBC] =	sst s0  }
0x18: {  	s0 =	sld [smem:$0x3F9F];
	_ =	swait.ge [sflag:s4], $0x0  }
0x19: {  	s7 =	sld [smem:$0x3FA0]  }
0x1a: {  	s8 =	sadd.s32 $0xFFFFE003, lr  }
0x1b: {  	s9 =	sadd.s32 $0xFFFFFEF7, lr;
	s5 =	simm.s32 $0xFFFFFFFF;
	p2 =	slt.u32 s8, $0xFFFFF086  }
0x1c: {  	p1 =	slt.u32 s9, $0xF7A;
	s5 =	simm.s32 @!p2 $0x0  }
0x1d: {  	s5 =	simm.s32 @p1 $0x1;
	p0 =	seq.s32 s7, s2  }
0x1e: {  	s7 =	smul.u32 @!p0 $0xF7A, s2;
	p2 =	seq.s32 @!p0 s5, $0x0  }
0x1f: {  	s9 =	smul.u32 $0xF7A, s1;
	s8 =	simm.s32 @!p0 $0x1BF5;
	p2 =	por !p2, p0  }
0x20: {  	[sflag:s8] =	ssyncset.s32 @!p0 $0xFFFFF086;
	s6 =	sadd.s32 @!p0 s3, s7;
	s7 =	simm.s32 @!p0 $0x108  }
0x21: {  	s3 =	sadd.s32 s3, s9;
	s6 =	sadd.s32 @!p0 $0x88, s6;
	s7 =	simm.s32 @p2 $0x1082  }
0x22: {  	[simem:s7], [sflag:s8] =	dma.local @!p0 [hbm:s6], $0xF7A  }
0x23: {  	s9 =	sor.u32 $0xD0000000, s2;
	s6 =	simm.s32 $0x108;
	_ =	swait.ge @!p0 [sflag:s8], $0x0  }
0x24: {  	s3 =	sadd.s32 $0x88, s3;
	s6 =	simm.s32 @!p1 $0x1082;
	[sflag:s4] =	ssyncset.s32 $0xFFFFF086  }
0x25: {  	[simem:s6], [sflag:s4] =	dma.local [hbm:s3], $0xF7A  }
0x26: {  	[smem:$0x3FA0] =	sst s1;
	(tag) =	ssettag s2;
	_ =	strace s9  }
0x27: {  	s1 =	sld [smem:$0x3FB0]  }
0x28: {  	s2 =	sld [smem:$0x3FB1]  }
0x29: {  	s4 =	sld [smem:$0x3FB3]  }
0x2a: {  	p0 =	seq.s32 s5, $0x0;
	s5 =	sld [smem:$0x3FB4]  }
0x2b: {  	s6 =	sld [smem:$0x3FB5]  }
0x2c: {  	s7 =	sld [smem:$0x3FB6]  }
0x2d: {  	s3 =	simm.s32 $0x108;
	s8 =	sld [smem:$0x3FB7]  }
0x2e: {  	s3 =	simm.s32 @!p0 $0x1082;
	s9 =	sld [smem:$0x3FB8]  }
0x2f: {  	lr =	sadd.s32 s0, s3;
	s0 =	sld [smem:$0x3FAF]  }
0x30: {  	s3 =	sld [smem:$0x3FB2]  }
0x31: {  	[smem:$0x3FBB] =	sst s10  }
0x32: {  	s10 =	sld [smem:$0x3FB9];
	_ =	sdelay $0x3  }
0x33: {  	p0 =	seq.s32 s10, $0x1;
	s10 =	sld [smem:$0x3FBB];
	_ =	sdelay $0x3  }
0x34: {  	[smem:$0x3FBB] =	sst s10  }
0x35: {  	s10 =	sld [smem:$0x3FBA];
	_ =	sdelay $0x3  }
0x36: {  	p1 =	seq.s32 s10, $0x1;
	s10 =	sld [smem:$0x3FBB];
	_ =	sdelay $0x3  }
0x37: {  	[smem:$0x3FBB] =	sst s10  }
0x38: {  	s10 =	sld [smem:$0x3FBC]  }
0x39: {  	_ = 	snop;
	(pc) =	sbr.ind lr, $3  }
0x3a: {  	_ = 	snop  }
0x3b: {  	_ = 	snop  }
0x3c: {  	p2 =	seq.s32 s10, $0x1;
	s10 =	sld [smem:$0x3FBB]  }
0x3d: {  	_ =	shalt  }
0x3e: {  	_ =	shalt  }
0x3f: {  	_ =	shalt  }
0x40: {  	_ =	shalt  }
0x41: {  	_ =	shalt  }
0x42: {  	_ =	shalt  }
0x43: {  	_ =	shalt  }
0x44: {  	_ =	shalt  }
0x45: {  	_ =	shalt  }
0x46: {  	_ =	shalt  }
0x47: {  	_ =	shalt  }
0x48: {  	_ =	shalt  }
0x49: {  	_ =	shalt  }
0x4a: {  	_ =	shalt  }
0x4b: {  	_ =	shalt  }
0x4c: {  	_ =	shalt  }
0x4d: {  	_ =	shalt  }
0x4e: {  	_ =	shalt  }
0x4f: {  	_ =	shalt  }
0x50: {  	_ =	shalt  }
0x51: {  	_ =	shalt  }
0x52: {  	_ =	shalt  }
0x53: {  	_ =	shalt  }
0x54: {  	_ =	shalt  }
0x55: {  	_ =	shalt  }
0x56: {  	_ =	shalt  }
0x57: {  	_ =	shalt  }
0x58: {  	_ =	shalt  }
0x59: {  	_ =	shalt  }
0x5a: {  	_ =	shalt  }
0x5b: {  	_ =	shalt  }
0x5c: {  	_ =	shalt  }
0x5d: {  	_ =	shalt  }
0x5e: {  	_ =	shalt  }
0x5f: {  	_ =	shalt  }
0x60: {  	_ =	shalt  }
0x61: {  	_ =	shalt  }
0x62: {  	_ =	shalt  }
0x63: {  	_ =	shalt  }
0x64: {  	_ =	shalt  }
0x65: {  	_ =	shalt  }
0x66: {  	_ =	shalt  }
0x67: {  	_ =	shalt  }
0x68: {  	_ =	shalt  }
0x69: {  	_ =	shalt  }
0x6a: {  	_ =	shalt  }
0x6b: {  	_ =	shalt  }
0x6c: {  	_ =	shalt  }
0x6d: {  	_ =	shalt  }
0x6e: {  	_ =	shalt  }
0x6f: {  	_ =	shalt  }
0x70: {  	_ =	shalt  }
0x71: {  	_ =	shalt  }
0x72: {  	_ =	shalt  }
0x73: {  	_ =	shalt  }
0x74: {  	_ =	shalt  }
0x75: {  	_ =	shalt  }
0x76: {  	_ =	shalt  }
0x77: {  	_ =	shalt  }
0x78: {  	_ =	shalt  }
0x79: {  	_ =	shalt  }
0x7a: {  	_ =	shalt  }
0x7b: {  	_ =	shalt  }
0x7c: {  	_ =	shalt  }
0x7d: {  	_ =	shalt  }
0x7e: {  	_ =	shalt  }
0x7f: {  	_ =	shalt  }
0x80: {  	_ =	shalt  }
0x81: {  	_ =	shalt  }
0x82: {  	_ =	shalt  }
0x83: {  	_ =	shalt  }
0x84: {  	_ =	shalt  }
0x85: {  	_ =	shalt  }
0x86: {  	_ =	shalt  }
0x87: {  	_ =	shalt  }
.Lfunc_end0:
.L_simem_size_0:
called_computation_lowered:
.L_overlay_start_0:
0x88: {  	s2 =	sld [smem:$0x3FD9]  }
0x89: {  	s3 =	sld [smem:$0x3FFE];
	_ =	sdelay $0x1  }
0x8a: {  	s1 =	srdreg.scid  }
0x8b: {  	s0 =	sand.u32 $0x1, s1  }
0x8c: {  	s14 =	sshll.u32 s0, $0xA;
	s2 =	sadd.s32 s3, s2  }
0x8d: {  	s2 =	sadd.s32 s2, s14  }
0x8e: {  	[smem:$0x3FC7] =	sst s2  }
0x8f: {  	_ = 	snop  }
0x90: {  	s2 =	sld [smem:$0x3FD0];
	_ =	sdelay $0x2  }
0x91: {  	s15 =	simm.s32 $0xA;
	s4 =	simm.s32 $0x10  }
0x92: {  	[smem:s4], [sflag:s15] =	dma.local [hbm:s2], $0x1  }
0x93: {  	_ =	swait.eq [sflag:s15], $0x1  }
0x94: {  	[sflag:s15] =	ssyncset.done $0x0  }
0x95: {  	s16 =	sld [smem:$0x10];
	[sflag:s15] =	ssyncadd.s32 $0xFFFFFFFF  }
0x96: {  	s17 =	sld [smem:$0x11];
	(tm) =	ssettm $0x1  }
0x97: {  	s18 =	sld [smem:$0x3FFB];
	_ =	sdelay $0x3  }
0x98: {  	_ =	strace s18  }
0x99: {  	s4 =	sld [smem:$0x3FFC];
	_ =	sdelay $0x3  }
0x9a: {  	_ =	strace s4  }
0x9b: {  	s4 =	sld [smem:$0x3FFD];
	_ =	sdelay $0x3  }
0x9c: {  	_ =	strace s4  }
0x9d: {  	_ =	strace $0x8FFFFFFF  }
0x9e: {  	s19 =	sld [smem:$0x3FDB];
	_ =	sdelay $0x1  }
0x9f: {  	s5 =	simm.s32 $_scs_section_size  }
0xa0: {  	s6 =	simm.s32 $_size__tile_overlayer_lowered;
	s7 =	simm.s32 $_tile_overlayer_lowered  }
0xa1: {  	s22 =	simm.s32 $0x1BFF;
	s21 =	sshll.u32 s7, $0x1;
	s4 =	sadd.s32 s5, s19  }
0xa2: {  	s8 =	simm.s32 $0x0;
	s20 =	sshll.u32 s6, $0x1;
	s6 =	sadd.s32 s21, s4  }
0xa3: {  	[timem:s8], [sflag:s22] =	dma.local [hbm:s6], s20  }
0xa4: {  	_ =	swait.ge [sflag:s22], s20  }
0xa5: {  	s5 =	ssub.s32 $0x0, s20;
	[sflag:s22] =	ssyncset.done $0x0  }
0xa6: {  	[sflag:s22] =	ssyncadd.s32 s5;
	_ =	sdelay $0x1  }
0xa7: {  	s23 =	simm.s32 $0x1B8B  }
0xa8: {  	_ =	swait.ge [sflag:s23], $0x1  }
0xa9: {  	[sflag:s23] =	ssyncset.done $0x0  }
0xaa: {  	s25 =	simm.s32 $0x1B8E;
	s24 =	sld [smem:$0x3FFE];
	[sflag:s23] =	ssyncadd.s32 $0xFFFFFFFF  }
0xab: {  	s26 =	simm.s32 $execute0_lowered;
	[smem:$0x3FD2] =	sst s25  }
0xac: {  	s6 =	sshll.u32 s26, $0x1;
	_ =	strace $0x80000046;
	[dreg:$0x1] =	wrdreg $0xFFFFFFFF  }
0xad: {  	s28 =	simm.s32 $_size_execute0_lowered;
	s4 =	sadd.s32 s4, s6;
	[dreg:$0x0] =	wrdreg $0x0  }
0xae: {  	s6 =	sshll.u32 s28, $0x1;
	[dreg:$0x2] =	wrdreg s4  }
0xaf: {  	[dreg:$0x3] =	wrdreg s6  }
0xb0: {  	[dreg:$0x4] =	wrdreg $0xC0  }
0xb1: {  	_ =	task [dreg:s8], $0x5FFFF  }
0xb2: {  	[dreg:$0x1] =	wrdreg $0xFFFFFFFF  }
0xb3: {  	[dreg:$0x0] =	wrdreg $0x60  }
0xb4: {  	[dreg:$0x2] =	wrdreg s24  }
0xb5: {  	[dreg:$0x3] =	wrdreg s16  }
0xb6: {  	[dreg:$0x4] =	wrdreg s17  }
0xb7: {  	[dreg:$0x5] =	wrdreg $0x9  }
0xb8: {  	_ =	task.clear_ibuf [dreg:s8], $0x6FFFF;
	_ =	strace $0x90000046  }
0xb9: {  	s29 =	simm.s32 $0x9;
	_ =	strace $0x80000048  }
0xba: {  	_ =	swait.ge [sflag:s29], $0x1  }
0xbb: {  	[sflag:s29] =	ssyncadd.s32 $0xFFFFFFFF  }
0xbc: {  	_ =	strace $0x90000048  }
0xbd: {  	_ =	sfence  }
0xbe: {  	s30 =	sld [smem:$0x0];
	_ =	sdelay $0x2  }
0xbf: {  	s31 =	sshll.u32 s1, $0xD;
	s1 =	sshrl.u32 s1, $0x2  }
0xc0: {  	s3 =	sand.u32 $0x4000, s31;
	s1 =	sadd.s32 s1, s30  }
0xc1: {  	s0 =	sor.u32 s3, s0;
	s1 =	sshll.u32 s1, $0x11  }
0xc2: {  	s0 =	sor.u32 s1, s0  }
0xc3: {  	s0 =	sadd.s32 $0x8F2B, s0  }
0xc4: {  	[sflag:s0] =	ssyncadd.remote.s32 $0x1  }
0xc5: {  	_ =	sfence.sel $0xFFFF  }
0xc6: {  	[dreg:$0x0] =	wrdreg $0xFFFFFFFF;
	(pc) =	sbr.abs _section_cstart, $3  }
0xc7: {  	[dreg:$0x1] =	wrdreg $0xFFFFFFFF  }
0xc8: {  	_ =	task.clear_ibuf [dreg:s8], $0x2FFFF;
	_ =	strace $0x9FFFFFFF  }
0xc9: {  	(tm) =	ssettm $0x7FFFFFFF  }
tec
execute0_lowered:
.L_overlay_start_1:
0x0: {  	(tag) =	ssettag $0x1  }
0x1: {  	s3 =	rddreg [dreg:$0x0]  }
0x2: {  	s0 =	stileid.u32;
	s7 =	rddreg [dreg:$0x1]  }
0x3: {  	s1 =	srdreg.scid;
	s10 =	rddreg [dreg:$0x2];
	s6 =	simm.s32 $0x1  }
0x4: {  	s8 =	sand.u32 $0x1, s1;
	s30 =	sshll.u32 s0, $0x1;
	s2 =	sshll.u32 s0, $0xD  }
0x5: {  	s1 =	rddreg [dreg:$0x3];
	s11 =	sor.u32 s8, s30;
	s4 =	sand.u32 $0x1C000, s2  }
0x6: {  	s2 =	simm.s32 $0x0;
	s12 =	ssub.s32 $0x2, s8;
	s5 =	sshll.u32 s11, $0x5  }
0x7: {  	s8 =	simm.s32 $0x2;
	s3 =	sadd.s32 s4, s3;
	s31 =	sand.u32 $0x60, s5  }
0x8: {  	[smem:$0x7FF] =	sst s2;
	s4 =	simm.s32 $0x100;
	s3 =	sadd.s32 s31, s3  }
0x9: {  	_ =	strace $0x80000047;
	s5 =	simm.s32 $0x400;
	s3 =	sadd.s32 $0xA00, s3  }
0xa: {  	[tilespmem:s2], [sflag:$0x1] =	stream.strided.gather [hbm4b:s3+s4], $0x8000, s5, s4, $0x38;
	[tilespmem:$0x10400] =	vst v63  }
0xb: {  	s9 =	sshll.u32 s11, $0xC;
	s13 =	sshrl.u32 s12, $0x1;
	_ =	swait.ge [sflag:s6], $0x8000  }
0xc: {  	s7 =	sadd.s32 s7, s9;
	s12 =	ssub.s32 s12, s13;
	[sflag:s6] =	ssyncset.done $0x0  }
0xd: {  	s9 =	simm.s32 $0x8000;
	s12 =	smax.u32 s12, $0x1;
	[sflag:s6] =	ssyncadd.s32 $0xFFFF8000  }
0xe: {  	[hbm4b:s7+s2] =	stream.linear.scatter [tilespmem:s9], [sflag:$0x2], $0x200, $0x38;
	[tilespmem:$0x10400] =	vst v63  }
0xf: {  	p0 =	sne.s32 s12, $0x1;
	_ =	swait.ge [sflag:s8], $0x200  }
.Ltmp0:
0x10: {  	s11 =	sshll.u32 s11, $0x7;
	[sflag:s8] =	ssyncset.done $0x0;
	(pc) =	sbr.rel @!p0 .LBB2_2-.Ltmp0, $4  }
0x11: {  	s10 =	sadd.s32 s10, s11;
	s11 =	simm.s32 $0x10000;
	[sflag:s8] =	ssyncadd.s32 $0xFFFFFE00  }
0x12: {  	[hbm4b:s10+s2] =	stream.linear.scatter [tilespmem:s11], [sflag:$0x2], $0x400, $0x38;
	[tilespmem:$0x10400] =	vst v63  }
0x13: {  	_ =	swait.ge [sflag:s8], $0x400  }
0x14: {  	s12 =	sadd.s32 $0xFFFFFFFF, s12;
	[sflag:s8] =	ssyncset.done $0x0  }
.LBB2_1:
0x15: {  	p0 =	sne.s32 s12, $0x1;
	s12 =	sadd.s32 $0xFFFFFFFF, s12;
	[sflag:s8] =	ssyncadd.s32 $0xFFFFFC00  }
0x16: {  	[tilespmem:s2], [sflag:$0x1] =	stream.strided.gather [hbm4b:s3+s4], $0x8000, s5, s4, $0x38;
	[tilespmem:$0x10400] =	vst v63  }
0x17: {  	_ =	swait.ge [sflag:s6], $0x8000  }
0x18: {  	[sflag:s6] =	ssyncset.done $0x0  }
0x19: {  	[sflag:s6] =	ssyncadd.s32 $0xFFFF8000  }
0x1a: {  	[hbm4b:s7+s2] =	stream.linear.scatter [tilespmem:s9], [sflag:$0x2], $0x200, $0x38;
	[tilespmem:$0x10400] =	vst v63  }
0x1b: {  	_ =	swait.ge [sflag:s8], $0x200  }
.Ltmp1:
0x1c: {  	[sflag:s8] =	ssyncset.done $0x0;
	(pc) =	sbr.rel @p0 .LBB2_1-.Ltmp1, $4  }
0x1d: {  	[sflag:s8] =	ssyncadd.s32 $0xFFFFFE00  }
0x1e: {  	[hbm4b:s10+s2] =	stream.linear.scatter [tilespmem:s11], [sflag:$0x2], $0x400, $0x38;
	[tilespmem:$0x10400] =	vst v63  }
0x1f: {  	_ =	swait.ge [sflag:s8], $0x400  }
0x20: {  	[sflag:s8] =	ssyncset.done $0x0  }
.LBB2_2:
0x21: {  	[sflag:s8] =	ssyncadd.s32 $0xFFFFFC00  }
0x22: {  	_ =	sfence.sel $0x180000  }
0x23: {  	[bflag:$0x0] =	sbarrier.arrive $0xFFFF  }
0x24: {  	p0 =	sne.s32 s0, $0x0;
	_ =	strace $0x90000047  }
0x25: {  	s0 =	sadd.s32 @!p0 $0x100000, s1;
	[bflag:$0x2] =	sbarrier.arrive $0xFFFF  }
0x26: {  	[sflag:s0] =	ssyncadd.tile.s32 @!p0 $0x1;
	_ =	shalt  }
.Lfunc_end2:
_tile_overlayer_lowered:
.L_overlay_start_2:
0x27: {  	(tag) =	ssettag $0x2  }
0x28: {  	s0 =	rddreg [dreg:$0x0];
	s2 =	stileid.u32  }
0x29: {  	s1 =	rddreg [dreg:$0x1];
	p0 =	sne.s32 s2, $0x0  }
0x2a: {  	s3 =	rddreg [dreg:$0x2];
	[bflag:$0x3] =	sbarrier.arrive $0xFFFF;
	s2 =	simm.s32 @!p0 $0x1C02  }
0x2b: {  	[timem:s3], [sflag:s2] =	dma.local @!p0 [hbm:s0], s1  }
0x2c: {  	s0 =	simm.s32 @!p0 $0x2  }
0x2d: {  	_ =	swait.ge @!p0 [sflag:s0], s1  }
0x2e: {  	s1 =	ssub.s32 @!p0 $0x0, s1;
	[sflag:s0] =	ssyncset.done @!p0 $0x0  }
0x2f: {  	[sflag:s0] =	ssyncadd.s32 @!p0 s1  }
0x30: {  	[bflag:$0x3] =	sbarrier.arrive $0xFFFF  }
0x31: {  	_ =	shalt  }

</sc_bundles>
